<compile_context>
chip_gen: v7x
topology: tpu7x:2x2x1
jax: 0.10.2.dev20260603
libtpu: 0.0.44.dev20260713+nightly
codegen_flags: <defaults>
</compile_context>

<pallas_src>
import jax
import jax.numpy as jnp
from jax import lax
from jax.experimental import pallas as pl
from jax.experimental.pallas import tpu as pltpu
from jax.experimental.pallas import tpu_sc as plsc

VOCAB = 1000000
D = 64
B = 16384
NC = 2
NS = 16
NW = NC * NS
BPW = B // NW
L = 16

CW = 32768
GRID = -(-VOCAB // CW)
ROWS = GRID * (CW // 128)



def _tc_scan_body(iw_ref, win_blk, wctx_blk, out_ref, inp_ref):
    @pl.when(pl.program_id(0) == 0)
    def _():
        lane = iw_ref[0] & 127
        m = lax.broadcasted_iota(jnp.int32, (D, 128), 1) == lane
        inp_ref[...] = jnp.sum(
            jnp.where(m, win_blk[...], 0.0), axis=1, keepdims=True
        )

    prod = lax.dot_general(
        inp_ref[...], wctx_blk[...], (((0,), (0,)), ((), ()))
    )
    out_ref[...] = prod.reshape(CW // 128, 128)


_tc_scan = pl.pallas_call(
    _tc_scan_body,
    grid_spec=pltpu.PrefetchScalarGridSpec(
        num_scalar_prefetch=1,
        grid=(GRID,),
        in_specs=[
            pl.BlockSpec((D, 128), lambda g, iw: (0, iw[0] // 128)),
            pl.BlockSpec((D, CW), lambda g, iw: (0, g)),
        ],
        out_specs=pl.BlockSpec((CW // 128, 128), lambda g, iw: (g, 0)),
        scratch_shapes=[pltpu.VMEM((D, 1), jnp.float32)],
    ),
    out_shape=jax.ShapeDtypeStruct((ROWS, 128), jnp.float32),
)



_mesh = plsc.VectorSubcoreMesh(core_axis_name="c", subcore_axis_name="s")

_SC_SCRATCH = [
    pltpu.VMEM((BPW,), jnp.int32),
    pltpu.VMEM((BPW, 128), jnp.float32),
    pltpu.VMEM((BPW,), jnp.float32),
    pltpu.SemaphoreType.DMA,
]


def _sc_gather_body(ctx_hbm, dots2_hbm, out_hbm, idx_v, rows_v, dots_v, sem):
    wid = lax.axis_index("s") * NC + lax.axis_index("c")
    base = wid * BPW
    pltpu.sync_copy(ctx_hbm.at[pl.ds(base, BPW)], idx_v)
    riota = lax.iota(jnp.int32, L)

    def fire(g, carry):
        rows16 = idx_v[pl.ds(g * L, L)] >> 7
        pltpu.async_copy(
            dots2_hbm.at[rows16], rows_v.at[pl.ds(g * L, L)], sem
        )
        return carry

    lax.fori_loop(0, BPW // L, fire, 0)

    def drain_extract(g, carry):
        pltpu.make_async_copy(
            dots2_hbm.at[pl.ds(0, L)], rows_v.at[pl.ds(g * L, L)], sem
        ).wait()
        lanes = idx_v[pl.ds(g * L, L)] & 127
        vals = plsc.load_gather(rows_v, [riota + g * L, lanes])
        dots_v[pl.ds(g * L, L)] = vals
        return carry

    lax.fori_loop(0, BPW // L, drain_extract, 0)

    pltpu.sync_copy(dots_v, out_hbm.at[pl.ds(base, BPW)])


_sc_gather = pl.kernel(
    _sc_gather_body,
    mesh=_mesh,
    out_type=jax.ShapeDtypeStruct((B,), jnp.float32),
    compiler_params=pltpu.CompilerParams(needs_layout_passes=False),
    scratch_types=_SC_SCRATCH,
)



def _softmax_body(x_ref, o_ref):
    x = x_ref[...]
    m = jnp.max(x)
    e = jnp.exp(x - m)
    o_ref[...] = e / jnp.sum(e)


_tc_softmax = pl.pallas_call(
    _softmax_body,
    out_shape=jax.ShapeDtypeStruct((8, B // 8), jnp.float32),
)


def kernel(input_word, context, W_in, W_ctx):
    dots2 = _tc_scan(input_word, W_in.T, W_ctx.T)
    dots = _sc_gather(context, dots2)
    scores = _tc_softmax(dots.reshape(8, B // 8))
    return scores.reshape(1, B)

# --- scband reference (transcript-rebuilt; emitter-appended) ---
"""Pipeline reference for scband-sgns-51908974739697 (READ-ONLY COPY).

The authoritative reference and input builder live on the scoring server;
editing this copy changes nothing except your own understanding.
"""

import jax, jax.numpy as jnp
import numpy as np

VOCAB = 1000000
EMBED_DIM = 64
CTX = 16384

def setup_inputs(seed: int = 0) -> dict:
    key = jax.random.key(seed)
    k1, k2, k3, k4 = jax.random.split(key, 4)
    input_word = jax.random.randint(k1, (1,), 0, VOCAB, dtype=jnp.int64 if jax.config.jax_enable_x64 else jnp.int32).astype(jnp.int32)
    context = jax.random.randint(k2, (CTX,), 0, VOCAB).astype(jnp.int32)
    W_in = jax.random.normal(k3, (VOCAB, EMBED_DIM), dtype=jnp.float32)
    W_ctx = jax.random.normal(k4, (VOCAB, EMBED_DIM), dtype=jnp.float32)
    return {"input_word": input_word, "context": context, "W_in": W_in, "W_ctx": W_ctx}

def reference(input_word, context, W_in, W_ctx):
    # input_embedding = self.input_embedding(input_word).view(1, -1)
    inp = jnp.take(W_in, input_word, axis=0).reshape(1, -1)  # [1, D]
    # context_embedding = self.context_embedding(context); transpose(0,1)
    ctx = jnp.take(W_ctx, context, axis=0)  # [C, D]
    ctx_t = jnp.transpose(ctx, (1, 0))      # [D, C]
    # dot = torch.mm(...)
    dot = jnp.matmul(inp, ctx_t)            # [1, C]
    # F.softmax with implicit dim -> dim=1 for 2D tensors
    scores = jax.nn.softmax(dot, axis=1)
    return scores

if __name__ == "__main__":
    import jax
    _d = setup_inputs()
    print(jax.jit(kernel)(*tuple(_d.values())))

</pallas_src>

<mosaic_0001>
#map = affine_map<(d0, d1) -> (0)>
#map1 = affine_map<(d0, d1) -> (0, 0)>
module attributes {stable_mosaic.version = 14 : i64} {
  func.func @_sc_gather_body(%arg0: i32, %arg1: i32, %arg2: memref<16384xi32, #tpu.memory_space<hbm>>, %arg3: memref<7936x128xf32, #tpu.memory_space<hbm>>, %arg4: memref<16384xf32, #tpu.memory_space<hbm>>, %arg5: memref<512xi32, #tpu.memory_space<vmem>>, %arg6: memref<512x128xf32, #tpu.memory_space<vmem>>, %arg7: memref<512xf32, #tpu.memory_space<vmem>>, %arg8: memref<!tpu.dma_semaphore, #tpu.memory_space<semaphore_mem>>) attributes {dimension_semantics = [#tpu.dimension_semantics<core_parallel>, #tpu.dimension_semantics<subcore_parallel>], iteration_bounds = array<i64: 2, 16>, scalar_prefetch = 0 : i64, scratch_operands = 4 : i64, tpu.core_type = #tpu.core_type<sc_vector_subcore>, window_params = [{transform_indices = #map}, {transform_indices = #map1}, {transform_indices = #map}]} {
    %mul3A = arith.constant 2 : i32
    %mul3A_0 = arith.muli %arg1, %mul3A : i32
    %add3A = arith.addi %mul3A_0, %arg0 : i32
    %mul3A_1 = arith.constant 512 : i32
    %mul3A_2 = arith.muli %add3A, %mul3A_1 : i32
    "tpu.region"() ({
      %run_scoped3A = tpu.sem_alloc : memref<!tpu.dma_semaphore, #tpu.memory_space<semaphore_mem>>
      %dma_start3A = tpu.memref_slice %arg2[%mul3A_2] : memref<16384xi32, #tpu.memory_space<hbm>> -> memref<512xi32, #tpu.memory_space<hbm>>
      %dma_start3A_14 = tpu.memref_slice %arg2[%mul3A_2] : memref<16384xi32, #tpu.memory_space<hbm>> -> memref<512xi32, #tpu.memory_space<hbm>>
      tpu.enqueue_dma source(%dma_start3A_14 : memref<512xi32, #tpu.memory_space<hbm>>) target(%arg5 : memref<512xi32, #tpu.memory_space<vmem>>) target_semaphore(%run_scoped3A : memref<!tpu.dma_semaphore, #tpu.memory_space<semaphore_mem>>)
      %dma_wait3A = tpu.memref_slice %arg2[%mul3A_2] : memref<16384xi32, #tpu.memory_space<hbm>> -> memref<512xi32, #tpu.memory_space<hbm>>
      %dma_wait3A_15 = tpu.memref_slice %arg2[%mul3A_2] : memref<16384xi32, #tpu.memory_space<hbm>> -> memref<512xi32, #tpu.memory_space<hbm>>
      tpu.wait_dma2 semaphore(%run_scoped3A : memref<!tpu.dma_semaphore, #tpu.memory_space<semaphore_mem>>) src(%dma_wait3A_15 : memref<512xi32, #tpu.memory_space<hbm>>) dst(%arg5 : memref<512xi32, #tpu.memory_space<vmem>>)
      tpu.yield
    }) : () -> ()
    %iota3A = tpu.iota {dimensions = array<i32: 0>} : vector<16xi32>
    %scan3A = arith.constant 0 : i32
    %scan3A_3 = arith.constant 0 : i32
    %scan3A_4 = arith.constant 32 : i32
    %scan3A_5 = arith.addi %scan3A_3, %scan3A_4 : i32
    %scan3A_6 = arith.constant 1 : i32
    scf.for %scan3A_14 = %scan3A_3 to %scan3A_5 step %scan3A_6  : i32 {
      %mul3A_15 = arith.constant 16 : i32
      %mul3A_16 = arith.muli %scan3A_14, %mul3A_15 : i32
      %get3A = arith.index_cast %mul3A_16 : i32 to index
      %get3A_17 = tpu.vector_load %arg5[%get3A] {strides = array<i32>} : memref<512xi32, #tpu.memory_space<vmem>>, vector<16xi32>,
      %shift_right_arithmetic3A = arith.constant 7 : i32
      %shift_right_arithmetic3A_18 = vector.broadcast %shift_right_arithmetic3A : i32 to vector<16xi32>
      %shift_right_arithmetic3A_19 = arith.shrsi %get3A_17, %shift_right_arithmetic3A_18 : vector<16xi32>
      %mul3A_20 = arith.constant 16 : i32
      %mul3A_21 = arith.muli %scan3A_14, %mul3A_20 : i32
      %dma_start3A = arith.constant 0 : i32
      %dma_start3A_22 = tpu.memref_slice %arg6[%mul3A_21, %dma_start3A] : memref<512x128xf32, #tpu.memory_space<vmem>> -> memref<16x128xf32, #tpu.memory_space<vmem>>
      %dma_start3A_23 = arith.constant 0 : i32
      %dma_start3A_24 = arith.constant 0 : i32
      %dma_start3A_25 = tpu.memref_slice %arg3[%dma_start3A_23, %dma_start3A_24] : memref<7936x128xf32, #tpu.memory_space<hbm>> -> memref<7936x128xf32, #tpu.memory_space<hbm>>
      tpu.enqueue_indirect_dma source(%dma_start3A_25 : memref<7936x128xf32, #tpu.memory_space<hbm>>) target(%dma_start3A_22 : memref<16x128xf32, #tpu.memory_space<vmem>>) offsets(%shift_right_arithmetic3A_19 : vector<16xi32>) semaphore(%arg8 : memref<!tpu.dma_semaphore, #tpu.memory_space<semaphore_mem>>)
    }
    %scan3A_7 = arith.constant 32 : i32
    %scan3A_8 = arith.constant 0 : i32
    %scan3A_9 = arith.constant 0 : i32
    %scan3A_10 = arith.constant 32 : i32
    %scan3A_11 = arith.addi %scan3A_9, %scan3A_10 : i32
    %scan3A_12 = arith.constant 1 : i32
    scf.for %scan3A_14 = %scan3A_9 to %scan3A_11 step %scan3A_12  : i32 {
      %mul3A_15 = arith.constant 16 : i32
      %mul3A_16 = arith.muli %scan3A_14, %mul3A_15 : i32
      %dma_wait3A = arith.constant 0 : i32
      %dma_wait3A_17 = tpu.memref_slice %arg6[%mul3A_16, %dma_wait3A] : memref<512x128xf32, #tpu.memory_space<vmem>> -> memref<16x128xf32, #tpu.memory_space<vmem>>
      %dma_wait3A_18 = arith.constant 0 : i32
      %dma_wait3A_19 = arith.constant 0 : i32
      %dma_wait3A_20 = tpu.memref_slice %arg3[%dma_wait3A_18, %dma_wait3A_19] : memref<7936x128xf32, #tpu.memory_space<hbm>> -> memref<16x128xf32, #tpu.memory_space<hbm>>
      %dma_wait3A_21 = arith.constant 0 : i32
      %dma_wait3A_22 = tpu.memref_slice %arg6[%mul3A_16, %dma_wait3A_21] : memref<512x128xf32, #tpu.memory_space<vmem>> -> memref<16x128xf32, #tpu.memory_space<vmem>>
      %dma_wait3A_23 = arith.constant 0 : i32
      %dma_wait3A_24 = arith.constant 0 : i32
      %dma_wait3A_25 = tpu.memref_slice %arg3[%dma_wait3A_23, %dma_wait3A_24] : memref<7936x128xf32, #tpu.memory_space<hbm>> -> memref<16x128xf32, #tpu.memory_space<hbm>>
      tpu.wait_dma2 semaphore(%arg8 : memref<!tpu.dma_semaphore, #tpu.memory_space<semaphore_mem>>) src(%dma_wait3A_25 : memref<16x128xf32, #tpu.memory_space<hbm>>) dst(%dma_wait3A_22 : memref<16x128xf32, #tpu.memory_space<vmem>>)
      %mul3A_26 = arith.constant 16 : i32
      %mul3A_27 = arith.muli %scan3A_14, %mul3A_26 : i32
      %get3A = arith.index_cast %mul3A_27 : i32 to index
      %get3A_28 = tpu.vector_load %arg5[%get3A] {strides = array<i32>} : memref<512xi32, #tpu.memory_space<vmem>>, vector<16xi32>,
      %and3A = arith.constant 127 : i32
      %and3A_29 = vector.broadcast %and3A : i32 to vector<16xi32>
      %and3A_30 = arith.andi %get3A_28, %and3A_29 : vector<16xi32>
      %mul3A_31 = arith.constant 16 : i32
      %mul3A_32 = arith.muli %scan3A_14, %mul3A_31 : i32
      %add3A_33 = vector.broadcast %mul3A_32 : i32 to vector<16xi32>
      %add3A_34 = arith.addi %iota3A, %add3A_33 : vector<16xi32>
      %gather3A = tpu.vector_load_idx %arg6[%add3A_34, %and3A_30] : memref<512x128xf32, #tpu.memory_space<vmem>>[vector<16xi32>, vector<16xi32>], vector<16xf32>,
      %mul3A_35 = arith.constant 16 : i32
      %mul3A_36 = arith.muli %scan3A_14, %mul3A_35 : i32
      %swap3A = arith.index_cast %mul3A_36 : i32 to index
      %swap3A_37 = tpu.vector_load %arg7[%swap3A] {strides = array<i32>} : memref<512xf32, #tpu.memory_space<vmem>>, vector<16xf32>,
      tpu.vector_store %arg7[%swap3A], %gather3A {strides = array<i32>} : memref<512xf32, #tpu.memory_space<vmem>>, vector<16xf32>,
    }
    %scan3A_13 = arith.constant 32 : i32
    "tpu.region"() ({
      %run_scoped3A = tpu.sem_alloc : memref<!tpu.dma_semaphore, #tpu.memory_space<semaphore_mem>>
      %dma_start3A = tpu.memref_slice %arg4[%mul3A_2] : memref<16384xf32, #tpu.memory_space<hbm>> -> memref<512xf32, #tpu.memory_space<hbm>>
      %dma_start3A_14 = tpu.memref_slice %arg4[%mul3A_2] : memref<16384xf32, #tpu.memory_space<hbm>> -> memref<512xf32, #tpu.memory_space<hbm>>
      tpu.enqueue_dma source(%arg7 : memref<512xf32, #tpu.memory_space<vmem>>) target(%dma_start3A_14 : memref<512xf32, #tpu.memory_space<hbm>>) target_semaphore(%run_scoped3A : memref<!tpu.dma_semaphore, #tpu.memory_space<semaphore_mem>>)
      %dma_wait3A = tpu.memref_slice %arg4[%mul3A_2] : memref<16384xf32, #tpu.memory_space<hbm>> -> memref<512xf32, #tpu.memory_space<hbm>>
      %dma_wait3A_15 = tpu.memref_slice %arg4[%mul3A_2] : memref<16384xf32, #tpu.memory_space<hbm>> -> memref<512xf32, #tpu.memory_space<hbm>>
      tpu.wait_dma2 semaphore(%run_scoped3A : memref<!tpu.dma_semaphore, #tpu.memory_space<semaphore_mem>>) src(%arg7 : memref<512xf32, #tpu.memory_space<vmem>>) dst(%dma_wait3A_15 : memref<512xf32, #tpu.memory_space<hbm>>)
      tpu.yield
    }) : () -> ()
    return
  }
}

module attributes {stable_mosaic.version = 14 : i64} {
  func.func @_softmax_body(%arg0: memref<8x2048xf32, #tpu.memory_space<vmem>>, %arg1: memref<8x2048xf32, #tpu.memory_space<vmem>>) attributes {dimension_semantics = [], scalar_prefetch = 0 : i64, scratch_operands = 0 : i64, tpu.core_type = #tpu.core_type<tc>} {
    %get3A = arith.constant 0 : index
    %get3A_0 = arith.constant 0 : index
    %get3A_1 = vector.load %arg0[%get3A, %get3A_0] : memref<8x2048xf32, #tpu.memory_space<vmem>>, vector<8x2048xf32>
    %reduce_max3A = vector.shape_cast %get3A_1 : vector<8x2048xf32> to vector<1x8x2048xf32>
    %reduce_max3A_2 = arith.constant dense<0xFF800000> : vector<1xf32>
    %reduce_max3A_3 = vector.multi_reduction <maximumf>, %reduce_max3A, %reduce_max3A_2 [1, 2] : vector<1x8x2048xf32> to vector<1xf32>
    %reduce_max3A_4 = vector.shape_cast %reduce_max3A_3 : vector<1xf32> to vector<1x1x1xf32>
    %reduce_max3A_5 = vector.extract %reduce_max3A_4[0, 0, 0] : f32 from vector<1x1x1xf32>
    %sub3A = vector.broadcast %reduce_max3A_5 : f32 to vector<8x2048xf32>
    %sub3A_6 = arith.subf %get3A_1, %sub3A : vector<8x2048xf32>
    %exp3A = math.exp %sub3A_6 : vector<8x2048xf32>
    %reduce_sum3A = vector.shape_cast %exp3A : vector<8x2048xf32> to vector<1x8x2048xf32>
    %reduce_sum3A_7 = arith.constant dense<0.000000e+00> : vector<1xf32>
    %reduce_sum3A_8 = vector.multi_reduction <add>, %reduce_sum3A, %reduce_sum3A_7 [1, 2] : vector<1x8x2048xf32> to vector<1xf32>
    %reduce_sum3A_9 = vector.shape_cast %reduce_sum3A_8 : vector<1xf32> to vector<1x1x1xf32>
    %reduce_sum3A_10 = vector.extract %reduce_sum3A_9[0, 0, 0] : f32 from vector<1x1x1xf32>
    %div3A = vector.broadcast %reduce_sum3A_10 : f32 to vector<8x2048xf32>
    %div3A_11 = arith.divf %exp3A, %div3A : vector<8x2048xf32>
    %swap3A = arith.constant 0 : index
    %swap3A_12 = arith.constant 0 : index
    %swap3A_13 = vector.load %arg1[%swap3A, %swap3A_12] : memref<8x2048xf32, #tpu.memory_space<vmem>>, vector<8x2048xf32>
    tpu.vector_store %arg1[%swap3A, %swap3A_12], %div3A_11 {strides = array<i32>} : memref<8x2048xf32, #tpu.memory_space<vmem>>, vector<8x2048xf32>,
    return
  }
}

module attributes {stable_mosaic.version = 14 : i64} {
  func.func @_tc_scan_body(%arg0: i32, %arg1: memref<1xi32, #tpu.memory_space<smem>>, %arg2: memref<64x128xf32, #tpu.memory_space<vmem>>, %arg3: memref<64x32768xf32, #tpu.memory_space<vmem>>, %arg4: memref<256x128xf32, #tpu.memory_space<vmem>>, %arg5: memref<64x1xf32, #tpu.memory_space<vmem>>) attributes {dimension_semantics = [#tpu.dimension_semantics<arbitrary>], iteration_bounds = array<i64: 31>, scalar_prefetch = 1 : i64, scratch_operands = 1 : i64, tpu.core_type = #tpu.core_type<tc>, window_params = [{transform_indices = @transform_0, window_bounds = array<i64: 64, 128>}, {transform_indices = @transform_1, window_bounds = array<i64: 64, 32768>}, {transform_indices = @transform_2, window_bounds = array<i64: 256, 128>}]} {
    %eq3A = arith.constant 0 : i32
    %eq3A_0 = arith.cmpi eq, %arg0, %eq3A : i32
    %convert_element_type3A = arith.extui %eq3A_0 : i1 to i32
    %cond3A = arith.constant 0 : i32
    %cond3A_1 = arith.cmpi ne, %convert_element_type3A, %cond3A : i32
    scf.if %cond3A_1 {
      %get3A_10 = arith.constant 0 : index
      %get3A_11 = memref.load %arg1[%get3A_10] : memref<1xi32, #tpu.memory_space<smem>>
      %and3A = arith.constant 127 : i32
      %and3A_12 = arith.andi %get3A_11, %and3A : i32
      %iota3A = tpu.iota {dimensions = array<i32: 1>} : vector<64x128xi32>
      %eq3A_13 = vector.broadcast %and3A_12 : i32 to vector<64x128xi32>
      %eq3A_14 = arith.cmpi eq, %iota3A, %eq3A_13 : vector<64x128xi32>
      %get3A_15 = arith.constant 0 : index
      %get3A_16 = arith.constant 0 : index
      %get3A_17 = vector.load %arg2[%get3A_15, %get3A_16] : memref<64x128xf32, #tpu.memory_space<vmem>>, vector<64x128xf32>
      %jit3A = arith.constant 0.000000e+00 : f32
      %broadcast_in_dim3A = vector.broadcast %jit3A : f32 to vector<64x128xf32>
      %select_n3A = arith.select %eq3A_14, %get3A_17, %broadcast_in_dim3A : vector<64x128xi1>, vector<64x128xf32>
      %reduce_sum3A = arith.constant dense<0.000000e+00> : vector<64xf32>
      %reduce_sum3A_18 = vector.multi_reduction <add>, %select_n3A, %reduce_sum3A [1] : vector<64x128xf32> to vector<64xf32>
      %broadcast_in_dim3A_19 = vector.shape_cast %reduce_sum3A_18 : vector<64xf32> to vector<64x1xf32>
      %swap3A_20 = arith.constant 0 : index
      %swap3A_21 = arith.constant 0 : index
      %swap3A_22 = vector.load %arg5[%swap3A_20, %swap3A_21] : memref<64x1xf32, #tpu.memory_space<vmem>>, vector<64x1xf32>
      tpu.vector_store %arg5[%swap3A_20, %swap3A_21], %broadcast_in_dim3A_19 {strides = array<i32>} : memref<64x1xf32, #tpu.memory_space<vmem>>, vector<64x1xf32>,
    } else {
    }
    %get3A = arith.constant 0 : index
    %get3A_2 = arith.constant 0 : index
    %get3A_3 = vector.load %arg5[%get3A, %get3A_2] : memref<64x1xf32, #tpu.memory_space<vmem>>, vector<64x1xf32>
    %get3A_4 = arith.constant 0 : index
    %get3A_5 = arith.constant 0 : index
    %get3A_6 = vector.load %arg3[%get3A_4, %get3A_5] : memref<64x32768xf32, #tpu.memory_space<vmem>>, vector<64x32768xf32>
    %dot_general3A = arith.constant dense<0.000000e+00> : vector<1x32768xf32>
    %dot_general3A_7 = tpu.matmul %get3A_3, %get3A_6, %dot_general3A {dimension_numbers = #tpu.dot_dimension_numbers<[0], [0], [1], [1], [0, 1, 1, 1], [], []>, transpose_lhs_hint = false} : vector<64x1xf32>, vector<64x32768xf32>, vector<1x32768xf32> -> vector<1x32768xf32>
    %reshape3A = vector.shape_cast %dot_general3A_7 : vector<1x32768xf32> to vector<256x128xf32>
    %swap3A = arith.constant 0 : index
    %swap3A_8 = arith.constant 0 : index
    %swap3A_9 = vector.load %arg4[%swap3A, %swap3A_8] : memref<256x128xf32, #tpu.memory_space<vmem>>, vector<256x128xf32>
    tpu.vector_store %arg4[%swap3A, %swap3A_8], %reshape3A {strides = array<i32>} : memref<256x128xf32, #tpu.memory_space<vmem>>, vector<256x128xf32>,
    return
  }
  func.func @transform_0(%arg0: i32, %arg1: memref<1xi32, #tpu.memory_space<smem>>) -> (i32, i32) {
    %get3A = arith.constant 0 : index
    %get3A_0 = memref.load %arg1[%get3A] : memref<1xi32, #tpu.memory_space<smem>>
    %jit3A = arith.constant 128 : i32
    %div3A = arith.divsi %get3A_0, %jit3A : i32
    %sign3A = arith.constant 0 : i32
    %sign3A_1 = arith.cmpi sgt, %get3A_0, %sign3A : i32
    %sign3A_2 = arith.extui %sign3A_1 : i1 to i32
    %sign3A_3 = arith.constant 0 : i32
    %sign3A_4 = arith.cmpi slt, %get3A_0, %sign3A_3 : i32
    %sign3A_5 = arith.extui %sign3A_4 : i1 to i32
    %sign3A_6 = arith.subi %sign3A_2, %sign3A_5 : i32
    %sign3A_7 = arith.constant 0 : i32
    %sign3A_8 = arith.cmpi sgt, %jit3A, %sign3A_7 : i32
    %sign3A_9 = arith.extui %sign3A_8 : i1 to i32
    %sign3A_10 = arith.constant 0 : i32
    %sign3A_11 = arith.cmpi slt, %jit3A, %sign3A_10 : i32
    %sign3A_12 = arith.extui %sign3A_11 : i1 to i32
    %sign3A_13 = arith.subi %sign3A_9, %sign3A_12 : i32
    %ne3A = arith.cmpi ne, %sign3A_6, %sign3A_13 : i32
    %rem3A = arith.remsi %get3A_0, %jit3A : i32
    %ne3A_14 = arith.constant 0 : i32
    %ne3A_15 = arith.cmpi ne, %rem3A, %ne3A_14 : i32
    %and3A = arith.andi %ne3A, %ne3A_15 : i1
    %sub3A = arith.constant 1 : i32
    %sub3A_16 = arith.subi %div3A, %sub3A : i32
    %select_n3A = arith.select %and3A, %sub3A_16, %div3A : i32
    %c0_i32 = arith.constant 0 : i32
    %c0_i32_17 = arith.constant 0 : i32
    return %c0_i32, %select_n3A : i32, i32
  }
  func.func @transform_1(%arg0: i32, %arg1: memref<1xi32, #tpu.memory_space<smem>>) -> (i32, i32) {
    %c0_i32 = arith.constant 0 : i32
    %c0_i32_0 = arith.constant 0 : i32
    return %c0_i32, %arg0 : i32, i32
  }
  func.func @transform_2(%arg0: i32, %arg1: memref<1xi32, #tpu.memory_space<smem>>) -> (i32, i32) {
    %c0_i32 = arith.constant 0 : i32
    %c0_i32_0 = arith.constant 0 : i32
    return %arg0, %c0_i32 : i32, i32
  }
}

</mosaic_0001>

<sc_bundles>
// kernel: kernel.5.cloned.1.call-start
scs
__scs_entry_jumppad:
0x0: {  	(pc) =	sbr.rel $0x88, $3  }
0x1: {  	(tag) =	ssettag $0x0;
	lr =	simm.s32 $0x1  }
0x2: {  	[smem:$0x3F9D] =	sst lr;
	_ =	strace $0xD0000000  }
0x3: {  	_ = 	snop  }
0x4: {  	_ = 	snop  }
0x5: {  	_ = 	snop  }
0x6: {  	_ = 	snop  }
0x7: {  	_ = 	snop  }
__scs_overlays_trampoline_lowered:
0x8: {  	[smem:$0x3FAC] =	sst s0  }
0x9: {  	[smem:$0x3FAD] =	sst s1  }
0xa: {  	[smem:$0x3FAE] =	sst s2  }
0xb: {  	[smem:$0x3FAF] =	sst s3  }
0xc: {  	[smem:$0x3FB0] =	sst s4  }
0xd: {  	[smem:$0x3FB1] =	sst s5  }
0xe: {  	[smem:$0x3FB2] =	sst s6  }
0xf: {  	[smem:$0x3FB3] =	sst s7  }
0x10: {  	[smem:$0x3FB4] =	sst s8  }
0x11: {  	[smem:$0x3FB5] =	sst s9;
	s0 =	simm.s32 @!p0 $0x0  }
0x12: {  	s1 =	sld [smem:$0x3F9B];
	s0 =	simm.s32 @p0 $0x1  }
0x13: {  	[smem:$0x3FB6] =	sst s0;
	s0 =	simm.s32 @!p1 $0x0  }
0x14: {  	s2 =	sld [smem:$0x3F9A];
	s0 =	simm.s32 @p1 $0x1  }
0x15: {  	[smem:$0x3FB7] =	sst s0;
	s0 =	simm.s32 @!p2 $0x0  }
0x16: {  	s3 =	sld [smem:$0x3FDB];
	s0 =	simm.s32 @p2 $0x1  }
0x17: {  	s4 =	simm.s32 $0x1BF5;
	[smem:$0x3FB9] =	sst s0  }
0x18: {  	s0 =	sld [smem:$0x3F9C];
	_ =	swait.ge [sflag:s4], $0x0  }
0x19: {  	s7 =	sld [smem:$0x3F9D]  }
0x1a: {  	s8 =	sadd.s32 $0xFFFFE003, lr  }
0x1b: {  	s9 =	sadd.s32 $0xFFFFFEF7, lr;
	s5 =	simm.s32 $0xFFFFFFFF;
	p2 =	slt.u32 s8, $0xFFFFF086  }
0x1c: {  	p1 =	slt.u32 s9, $0xF7A;
	s5 =	simm.s32 @!p2 $0x0  }
0x1d: {  	s5 =	simm.s32 @p1 $0x1;
	p0 =	seq.s32 s7, s2  }
0x1e: {  	s7 =	smul.u32 @!p0 $0xF7A, s2;
	p2 =	seq.s32 @!p0 s5, $0x0  }
0x1f: {  	s9 =	smul.u32 $0xF7A, s1;
	s8 =	simm.s32 @!p0 $0x1BF5;
	p2 =	por !p2, p0  }
0x20: {  	[sflag:s8] =	ssyncset.s32 @!p0 $0xFFFFF086;
	s6 =	sadd.s32 @!p0 s3, s7;
	s7 =	simm.s32 @!p0 $0x108  }
0x21: {  	s3 =	sadd.s32 s3, s9;
	s6 =	sadd.s32 @!p0 $0x88, s6;
	s7 =	simm.s32 @p2 $0x1082  }
0x22: {  	[simem:s7], [sflag:s8] =	dma.local @!p0 [hbm:s6], $0xF7A  }
0x23: {  	s9 =	sor.u32 $0xD0000000, s2;
	s6 =	simm.s32 $0x108;
	_ =	swait.ge @!p0 [sflag:s8], $0x0  }
0x24: {  	s3 =	sadd.s32 $0x88, s3;
	s6 =	simm.s32 @!p1 $0x1082;
	[sflag:s4] =	ssyncset.s32 $0xFFFFF086  }
0x25: {  	[simem:s6], [sflag:s4] =	dma.local [hbm:s3], $0xF7A  }
0x26: {  	[smem:$0x3F9D] =	sst s1;
	(tag) =	ssettag s2;
	_ =	strace s9  }
0x27: {  	s1 =	sld [smem:$0x3FAD]  }
0x28: {  	s2 =	sld [smem:$0x3FAE]  }
0x29: {  	s4 =	sld [smem:$0x3FB0]  }
0x2a: {  	p0 =	seq.s32 s5, $0x0;
	s5 =	sld [smem:$0x3FB1]  }
0x2b: {  	s6 =	sld [smem:$0x3FB2]  }
0x2c: {  	s7 =	sld [smem:$0x3FB3]  }
0x2d: {  	s3 =	simm.s32 $0x108;
	s8 =	sld [smem:$0x3FB4]  }
0x2e: {  	s3 =	simm.s32 @!p0 $0x1082;
	s9 =	sld [smem:$0x3FB5]  }
0x2f: {  	lr =	sadd.s32 s0, s3;
	s0 =	sld [smem:$0x3FAC]  }
0x30: {  	s3 =	sld [smem:$0x3FAF]  }
0x31: {  	[smem:$0x3FB8] =	sst s10  }
0x32: {  	s10 =	sld [smem:$0x3FB6];
	_ =	sdelay $0x3  }
0x33: {  	p0 =	seq.s32 s10, $0x1;
	s10 =	sld [smem:$0x3FB8];
	_ =	sdelay $0x3  }
0x34: {  	[smem:$0x3FB8] =	sst s10  }
0x35: {  	s10 =	sld [smem:$0x3FB7];
	_ =	sdelay $0x3  }
0x36: {  	p1 =	seq.s32 s10, $0x1;
	s10 =	sld [smem:$0x3FB8];
	_ =	sdelay $0x3  }
0x37: {  	[smem:$0x3FB8] =	sst s10  }
0x38: {  	s10 =	sld [smem:$0x3FB9]  }
0x39: {  	_ = 	snop;
	(pc) =	sbr.ind lr, $3  }
0x3a: {  	_ = 	snop  }
0x3b: {  	_ = 	snop  }
0x3c: {  	p2 =	seq.s32 s10, $0x1;
	s10 =	sld [smem:$0x3FB8]  }
0x3d: {  	_ =	shalt  }
0x3e: {  	_ =	shalt  }
0x3f: {  	_ =	shalt  }
0x40: {  	_ =	shalt  }
0x41: {  	_ =	shalt  }
0x42: {  	_ =	shalt  }
0x43: {  	_ =	shalt  }
0x44: {  	_ =	shalt  }
0x45: {  	_ =	shalt  }
0x46: {  	_ =	shalt  }
0x47: {  	_ =	shalt  }
0x48: {  	_ =	shalt  }
0x49: {  	_ =	shalt  }
0x4a: {  	_ =	shalt  }
0x4b: {  	_ =	shalt  }
0x4c: {  	_ =	shalt  }
0x4d: {  	_ =	shalt  }
0x4e: {  	_ =	shalt  }
0x4f: {  	_ =	shalt  }
0x50: {  	_ =	shalt  }
0x51: {  	_ =	shalt  }
0x52: {  	_ =	shalt  }
0x53: {  	_ =	shalt  }
0x54: {  	_ =	shalt  }
0x55: {  	_ =	shalt  }
0x56: {  	_ =	shalt  }
0x57: {  	_ =	shalt  }
0x58: {  	_ =	shalt  }
0x59: {  	_ =	shalt  }
0x5a: {  	_ =	shalt  }
0x5b: {  	_ =	shalt  }
0x5c: {  	_ =	shalt  }
0x5d: {  	_ =	shalt  }
0x5e: {  	_ =	shalt  }
0x5f: {  	_ =	shalt  }
0x60: {  	_ =	shalt  }
0x61: {  	_ =	shalt  }
0x62: {  	_ =	shalt  }
0x63: {  	_ =	shalt  }
0x64: {  	_ =	shalt  }
0x65: {  	_ =	shalt  }
0x66: {  	_ =	shalt  }
0x67: {  	_ =	shalt  }
0x68: {  	_ =	shalt  }
0x69: {  	_ =	shalt  }
0x6a: {  	_ =	shalt  }
0x6b: {  	_ =	shalt  }
0x6c: {  	_ =	shalt  }
0x6d: {  	_ =	shalt  }
0x6e: {  	_ =	shalt  }
0x6f: {  	_ =	shalt  }
0x70: {  	_ =	shalt  }
0x71: {  	_ =	shalt  }
0x72: {  	_ =	shalt  }
0x73: {  	_ =	shalt  }
0x74: {  	_ =	shalt  }
0x75: {  	_ =	shalt  }
0x76: {  	_ =	shalt  }
0x77: {  	_ =	shalt  }
0x78: {  	_ =	shalt  }
0x79: {  	_ =	shalt  }
0x7a: {  	_ =	shalt  }
0x7b: {  	_ =	shalt  }
0x7c: {  	_ =	shalt  }
0x7d: {  	_ =	shalt  }
0x7e: {  	_ =	shalt  }
0x7f: {  	_ =	shalt  }
0x80: {  	_ =	shalt  }
0x81: {  	_ =	shalt  }
0x82: {  	_ =	shalt  }
0x83: {  	_ =	shalt  }
0x84: {  	_ =	shalt  }
0x85: {  	_ =	shalt  }
0x86: {  	_ =	shalt  }
0x87: {  	_ =	shalt  }
.Lfunc_end0:
.L_simem_size_0:
called_computation_lowered:
.L_overlay_start_0:
0x88: {  	s2 =	sld [smem:$0x3FD9]  }
0x89: {  	s3 =	sld [smem:$0x3FFE];
	_ =	sdelay $0x1  }
0x8a: {  	s1 =	srdreg.scid  }
0x8b: {  	s0 =	sand.u32 $0x1, s1  }
0x8c: {  	s17 =	sshll.u32 s0, $0xA;
	s2 =	sadd.s32 s3, s2  }
0x8d: {  	s2 =	sadd.s32 s2, s17  }
0x8e: {  	[smem:$0x3FC4] =	sst s2  }
0x8f: {  	_ = 	snop  }
0x90: {  	s2 =	sld [smem:$0x3FC8]  }
0x91: {  	s18 =	sld [smem:$0x3FD0];
	(tm) =	ssettm $0x1  }
0x92: {  	s4 =	sld [smem:$0x3FFB];
	_ =	sdelay $0x3  }
0x93: {  	_ =	strace s4  }
0x94: {  	s4 =	sld [smem:$0x3FFC];
	_ =	sdelay $0x3  }
0x95: {  	_ =	strace s4  }
0x96: {  	s4 =	sld [smem:$0x3FFD];
	_ =	sdelay $0x3  }
0x97: {  	_ =	strace s4  }
0x98: {  	_ =	strace $0x8FFFFFFF  }
0x99: {  	s19 =	sld [smem:$0x3FDB];
	_ =	sdelay $0x1  }
0x9a: {  	s5 =	simm.s32 $_scs_section_size  }
0x9b: {  	s6 =	simm.s32 $_size__tile_overlayer_lowered;
	s7 =	simm.s32 $_tile_overlayer_lowered  }
0x9c: {  	s22 =	simm.s32 $0x1BFF;
	s21 =	sshll.u32 s7, $0x1;
	s4 =	sadd.s32 s5, s19  }
0x9d: {  	s8 =	simm.s32 $0x0;
	s20 =	sshll.u32 s6, $0x1;
	s6 =	sadd.s32 s21, s4  }
0x9e: {  	[timem:s8], [sflag:s22] =	dma.local [hbm:s6], s20  }
0x9f: {  	_ =	swait.ge [sflag:s22], s20  }
0xa0: {  	s5 =	ssub.s32 $0x0, s20;
	[sflag:s22] =	ssyncset.done $0x0  }
0xa1: {  	[sflag:s22] =	ssyncadd.s32 s5;
	_ =	sdelay $0x1  }
0xa2: {  	s23 =	simm.s32 $0x1B8B  }
0xa3: {  	_ =	swait.ge [sflag:s23], $0x1  }
0xa4: {  	[sflag:s23] =	ssyncset.done $0x0  }
0xa5: {  	s25 =	simm.s32 $0x1B8E;
	s24 =	sld [smem:$0x3FFE];
	[sflag:s23] =	ssyncadd.s32 $0xFFFFFFFF  }
0xa6: {  	s26 =	simm.s32 $execute0_lowered;
	[smem:$0x3FD2] =	sst s25  }
0xa7: {  	s6 =	sshll.u32 s26, $0x1;
	_ =	strace $0x80000046;
	[dreg:$0x1] =	wrdreg $0xFFFFFFFF  }
0xa8: {  	s28 =	simm.s32 $_size_execute0_lowered;
	s4 =	sadd.s32 s4, s6;
	[dreg:$0x0] =	wrdreg $0x0  }
0xa9: {  	s6 =	sshll.u32 s28, $0x1;
	[dreg:$0x2] =	wrdreg s4  }
0xaa: {  	[dreg:$0x3] =	wrdreg s6  }
0xab: {  	[dreg:$0x4] =	wrdreg $0xC0  }
0xac: {  	_ =	task [dreg:s8], $0x5FFFF  }
0xad: {  	[dreg:$0x1] =	wrdreg $0xFFFFFFFF  }
0xae: {  	[dreg:$0x0] =	wrdreg $0x60  }
0xaf: {  	[dreg:$0x2] =	wrdreg s2  }
0xb0: {  	[dreg:$0x3] =	wrdreg s24  }
0xb1: {  	[dreg:$0x4] =	wrdreg s18  }
0xb2: {  	[dreg:$0x5] =	wrdreg $0x9  }
0xb3: {  	_ =	task.clear_ibuf [dreg:s8], $0x6FFFF;
	_ =	strace $0x90000046  }
0xb4: {  	s29 =	simm.s32 $0x9;
	_ =	strace $0x80000048  }
0xb5: {  	_ =	swait.ge [sflag:s29], $0x1  }
0xb6: {  	[sflag:s29] =	ssyncadd.s32 $0xFFFFFFFF  }
0xb7: {  	_ =	strace $0x90000048  }
0xb8: {  	_ =	sfence  }
0xb9: {  	s30 =	sld [smem:$0x0];
	_ =	sdelay $0x2  }
0xba: {  	s31 =	sshll.u32 s1, $0xD;
	s1 =	sshrl.u32 s1, $0x2  }
0xbb: {  	s3 =	sand.u32 $0x4000, s31;
	s1 =	sadd.s32 s1, s30  }
0xbc: {  	s0 =	sor.u32 s3, s0;
	s1 =	sshll.u32 s1, $0x11  }
0xbd: {  	s0 =	sor.u32 s1, s0  }
0xbe: {  	s0 =	sadd.s32 $0x8F2B, s0  }
0xbf: {  	[sflag:s0] =	ssyncadd.remote.s32 $0x1  }
0xc0: {  	_ =	sfence.sel $0xFFFF  }
0xc1: {  	[dreg:$0x0] =	wrdreg $0xFFFFFFFF;
	(pc) =	sbr.abs _section_cstart, $3  }
0xc2: {  	[dreg:$0x1] =	wrdreg $0xFFFFFFFF  }
0xc3: {  	_ =	task.clear_ibuf [dreg:s8], $0x2FFFF;
	_ =	strace $0x9FFFFFFF  }
0xc4: {  	(tm) =	ssettm $0x7FFFFFFF  }
0xc5: {  	_ =	shalt  }
tec
execute0_lowered:
.L_overlay_start_1:
0x0: {  	(tag) =	ssettag $0x1  }
0x1: {  	s4 =	rddreg [dreg:$0x0]  }
0x2: {  	s3 =	rddreg [dreg:$0x1]  }
0x3: {  	s5 =	rddreg [dreg:$0x2]  }
0x4: {  	s0 =	rddreg [dreg:$0x3]  }
0x5: {  	s2 =	simm.s32 $0x0;
	s6 =	srdreg.scid;
	s1 =	stileid.u32  }
0x6: {  	s10 =	simm.s32 $0x10200;
	s11 =	simm.s32 $0x0;
	[smem:$0x7FF] =	sst s2  }
0x7: {  	s6 =	sand.u32 $0x1, s6;
	s8 =	sshll.u32 s1, $0x7;
	s3 =	sadd.s32 $0x600, s3  }
0x8: {  	_ =	strace $0x80000047;
	s7 =	ssub.s32 $0x2, s6;
	s6 =	sshll.u32 s6, $0x6  }
0x9: {  	s9 =	sshrl.u32 s7, $0x1;
	s6 =	sor.u32 s6, s8;
	s8 =	simm.s32 $0x1  }
0xa: {  	v0 =	vlaneseq.u32;
	s7 =	ssub.s32 s7, s9;
	s4 =	sadd.s32 s4, s6;
	s5 =	sadd.s32 s5, s6  }
0xb: {  	vm0 =	vmmov $0xffff;
	v0 =	vmul.u32 $0x80, v0;
	s9 =	simm.s32 $0x200;
	s6 =	smax.u32 s7, $0x1;
	s7 =	simm.s32 $0x2  }
.LBB2_1:
0xc: {  	[tilespmem:s2], [sflag:$0x2] =	stream.linear.gather [hbm4b:s4+s2], $0x200, $0x38;
	[tilespmem:$0x10400] =	vst v63  }
0xd: {  	_ =	swait.ge [sflag:s7], $0x200  }
0xe: {  	[sflag:s7] =	ssyncset.done $0x0  }
0xf: {  	s13 =	simm.s32 $0x200;
	s14 =	simm.s32 $0x0;
	[sflag:s7] =	ssyncadd.s32 $0xFFFFFE00  }
.LBB2_2:
0x10: {  	s12 =	sshra.s32 s14, $0x2  }
0x11: {  	v1 =	vld [tilespmem:s12+$0x0];
	_ =	sdelay $0x4  }
0x12: {  	v1 =	vshra.s32 v1, $0x7  }
0x13: {  	p0 =	sne.s32 s14, $0x7C0  }
.Ltmp0:
0x14: {  	_ = 	snop;
	(pc) =	sbr.rel @p0 .LBB2_2-.Ltmp0, $4  }
0x15: {  	_ = 	snop  }
0x16: {  	s12 =	simm.s32 $0x0  }
0x17: {  	[tilespmem:s13], [sflag:$0x1] =	stream.indirect_vreg.gather [hbm4b:s3+s12], $0x80, v1, vm0, $0xb8;
	[tilespmem:$0x10400] =	vst v63  }
0x18: {  	s14 =	sadd.s32 $0x40, s14;
	s13 =	sadd.s32 $0x800, s13  }
0x19: {  	_ =	swait.ge [sflag:s8], $0x800  }
0x1a: {  	[sflag:s8] =	ssyncset.done $0x0  }
0x1b: {  	[sflag:s8] =	ssyncadd.s32 $0xFFFFF800  }
0x1c: {  	v1 =	vld [tilespmem:s12+$0x0];
	_ =	sdelay $0x2  }
0x1d: {  	v2 =	vmov s12  }
0x1e: {  	v2 =	vshll.u32 v2, $0x7  }
0x1f: {  	v2 =	vor.u32 v0, v2;
	v1 =	vand.u32 $0x7F, v1  }
0x20: {  	v1 =	vor.u32 v2, v1;
	_ =	sdelay $0x4  }
0x21: {  	s13 =	simm.s32 $0x10200;
	s14 =	simm.s32 $0x10;
	v1 =	vld.idx.msk [tilespmem:v1+s9+$0x0], $0xffff  }
.LBB2_4:
0x22: {  	_ =	sdelay $0x3  }
0x23: {  	p0 =	sne.s32 s14, $0x1F0;
	s12 =	sadd.s32 $0x10, s12;
	[tilespmem:s13+$0x0] =	vst v1;
	s13 =	sadd.s32 $0x10, s13  }
0x24: {  	s15 =	smov.u32 s14;
	s14 =	sadd.s32 $0x10, s14;
	_ =	swait.ge [sflag:s8], $0x800  }
0x25: {  	[sflag:s8] =	ssyncset.done $0x0  }
0x26: {  	[sflag:s8] =	ssyncadd.s32 $0xFFFFF800  }
0x27: {  	v1 =	vld [tilespmem:s12+$0x0];
	_ =	sdelay $0x2  }
0x28: {  	v2 =	vmov s15  }
0x29: {  	v2 =	vshll.u32 v2, $0x7  }
0x2a: {  	v2 =	vor.u32 v0, v2;
	v1 =	vand.u32 $0x7F, v1  }
0x2b: {  	v1 =	vor.u32 v2, v1  }
.Ltmp1:
0x2c: {  	(pc) =	sbr.rel @p0 .LBB2_4-.Ltmp1, $2  }
0x2d: {  	_ =	sdelay $0x2  }
0x2e: {  	v1 =	vld.idx.msk [tilespmem:v1+s9+$0x0], $0xffff  }
0x2f: {  	_ =	sdelay $0x1  }
0x30: {  	s11 =	sadd.s32 $0x1, s11  }
0x31: {  	p0 =	sne.s32 s11, s6  }
.Ltmp2:
0x32: {  	[tilespmem:s13+$0x0] =	vst v1;
	(pc) =	sbr.rel @p0 .LBB2_1-.Ltmp2, $4  }
0x33: {  	[hbm4b:s5+s2] =	stream.linear.scatter [tilespmem:s10], [sflag:$0x2], $0x200, $0x38;
	[tilespmem:$0x10400] =	vst v63  }
0x34: {  	_ =	swait.ge [sflag:s7], $0x200  }
0x35: {  	[sflag:s7] =	ssyncset.done $0x0  }
0x36: {  	[sflag:s7] =	ssyncadd.s32 $0xFFFFFE00  }
0x37: {  	_ =	sfence.sel $0x180000  }
0x38: {  	[bflag:$0x0] =	sbarrier.arrive $0xFFFF  }
0x39: {  	p0 =	sne.s32 s1, $0x0;
	_ =	strace $0x90000047  }
0x3a: {  	s0 =	sadd.s32 @!p0 $0x100000, s0;
	[bflag:$0x2] =	sbarrier.arrive $0xFFFF  }
0x3b: {  	[sflag:s0] =	ssyncadd.tile.s32 @!p0 $0x1;
	_ =	shalt  }
.Lfunc_end2:
_tile_overlayer_lowered:
.L_overlay_start_2:
0x3c: {  	(tag) =	ssettag $0x2  }
0x3d: {  	s0 =	rddreg [dreg:$0x0];
	s2 =	stileid.u32  }
0x3e: {  	s1 =	rddreg [dreg:$0x1];
	p0 =	sne.s32 s2, $0x0  }
0x3f: {  	s3 =	rddreg [dreg:$0x2];
	[bflag:$0x3] =	sbarrier.arrive $0xFFFF;
	s2 =	simm.s32 @!p0 $0x1C02  }
0x40: {  	[timem:s3], [sflag:s2] =	dma.local @!p0 [hbm:s0], s1  }
0x41: {  	s0 =	simm.s32 @!p0 $0x2  }
0x42: {  	_ =	swait.ge @!p0 [sflag:s0], s1  }
0x43: {  	s1 =	ssub.s32 @!p0 $0x0, s1;
	[sflag:s0] =	ssyncset.done @!p0 $0x0  }
0x44: {  	[sflag:s0] =	ssyncadd.s32 @!p0 s1  }
0x45: {  	[bflag:$0x3] =	sbarrier.arrive $0xFFFF  }
0x46: {  	_ =	shalt  }

</sc_bundles>
